<compile_context>
chip_gen: v7x
topology: tpu7x:2x2x1
jax: 0.10.2.dev20260603
libtpu: 0.0.44.dev20260713+nightly
codegen_flags: <defaults>
</compile_context>

<pallas_src>
import functools

import numpy as np
import jax
import jax.numpy as jnp
from jax import lax
from jax.experimental import pallas as pl
from jax.experimental.pallas import tpu as pltpu
from jax.experimental.pallas import tpu_sc as plsc

_D_MODEL = 64
_MAX_LEN = 512


def _position_embedding_np(max_len, d_model):
    position = np.arange(0, max_len, dtype=np.float64)[:, None]
    div_term = np.exp(
        -np.arange(0, d_model, 2, dtype=np.float64) * (np.log(10000.0) / d_model)
    )
    pe = np.zeros((max_len, d_model), dtype=np.float32)
    pe[:, 0::2] = np.sin(position * div_term)
    pe[:, 1::2] = np.cos(position * div_term)
    return pe


_PE_NP = _position_embedding_np(_MAX_LEN, _D_MODEL)


@functools.cache
def _build(B, S, D):
    info = plsc.get_sparse_core_info()
    NC, NS = info.num_cores, info.num_subcores
    NW = NC * NS
    assert B % NW == 0
    R = B // NW
    K = 2
    assert R % K == 0
    G = R // K
    splits = []
    off = 0
    while off < S:
        n = min(128, S - off)
        splits.append((off, n))
        off += n
    scale = float(np.sqrt(np.float32(D)))
    mesh = plsc.VectorSubcoreMesh(core_axis_name="c", subcore_axis_name="s")

    @functools.partial(
        pl.kernel,
        mesh=mesh,
        compiler_params=pltpu.CompilerParams(use_tc_tiling_on_sc=False),
        out_type=jax.ShapeDtypeStruct((B, S, D), jnp.float32),
        scratch_types=[
            pltpu.VMEM((S, D), jnp.float32),
            [pltpu.VMEM((S,), jnp.int32) for _ in range(K)],
            pltpu.VMEM((K, S, D), jnp.float32),
            pltpu.SemaphoreType.DMA,
        ],
    )
    def sc_kernel(x_hbm, table_hbm, pe_hbm, out_hbm, pe_v, idx_v, buf, sem):
        wid = lax.axis_index("s") * NC + lax.axis_index("c")
        r0 = wid * R
        pltpu.sync_copy(pe_hbm, pe_v)

        def group(g, carry):
            row = r0 + g * K
            for kk in range(K):
                pltpu.sync_copy(x_hbm.at[row + kk], idx_v[kk])
            cps = []
            for kk in range(K):
                for off, n in splits:
                    cps.append(
                        pltpu.async_copy(
                            table_hbm.at[idx_v[kk].at[pl.ds(off, n)]],
                            buf.at[kk, pl.ds(off, n)],
                            sem,
                        )
                    )
            for cp in cps:
                cp.wait()

            def pos(j, c2):
                for dd in range(D // 16):
                    pev = pe_v[j, pl.ds(dd * 16, 16)]
                    for kk in range(K):
                        v = buf[kk, j, pl.ds(dd * 16, 16)]
                        buf[kk, j, pl.ds(dd * 16, 16)] = v * scale + pev
                return c2

            lax.fori_loop(0, S, pos, 0, unroll=False)
            pltpu.sync_copy(buf, out_hbm.at[pl.ds(row, K)])
            return carry

        lax.fori_loop(0, G, group, 0, unroll=False)

    return sc_kernel


def kernel(x, table):
    B, S = x.shape
    D = table.shape[1]
    pe = jnp.asarray(_PE_NP[:S])
    return _build(B, S, D)(x.astype(jnp.int32), table, pe)

# --- scband reference (transcript-rebuilt; emitter-appended) ---
"""Pipeline reference for scband-embedding-25907242729913 (READ-ONLY COPY).

The authoritative reference and input builder live on the scoring server;
editing this copy changes nothing except your own understanding.
"""

import jax, jax.numpy as jnp
import numpy as np

NUM_VOCAB = 1000000
D_MODEL = 64
MAX_LEN = 512


def _position_embedding(max_len, d_model):
    position = np.arange(0, max_len, dtype=np.float64)[:, None]
    div_term = np.exp(-np.arange(0, d_model, 2, dtype=np.float64) * (np.log(10000.0) / d_model))
    pe = np.zeros((max_len, d_model), dtype=np.float32)
    pe[:, 0::2] = np.sin(position * div_term)
    pe[:, 1::2] = np.cos(position * div_term)
    return jnp.asarray(pe)


def setup_inputs(seed: int = 0) -> dict:
    key = jax.random.key(seed)
    k1, k2 = jax.random.split(key)
    x = jax.random.randint(k1, (4096, 200), 0, NUM_VOCAB, dtype=jnp.int64)
    table = jax.random.normal(k2, (NUM_VOCAB, D_MODEL), dtype=jnp.float32)
    return {"x": x, "table": table}


def reference(x, table):
    # embedding lookup scaled by sqrt(d_model)
    embs = jnp.take(table, x, axis=0) * jnp.sqrt(jnp.float32(D_MODEL))
    pe = _position_embedding(MAX_LEN, D_MODEL)
    embs_pe = pe[: x.shape[1], :]
    # dropout is identity in eval/reference mode
    return embs + embs_pe[None, :, :]

if __name__ == "__main__":
    import jax
    _d = setup_inputs()
    print(jax.jit(kernel)(*tuple(_d.values())))

</pallas_src>

<mosaic_0001>
#map = affine_map<(d0, d1) -> (0, 0)>
#map1 = affine_map<(d0, d1) -> (0, 0, 0)>
module attributes {stable_mosaic.version = 14 : i64} {
  func.func @sc_kernel(%arg0: i32, %arg1: i32, %arg2: memref<4096x200xi32, #tpu.memory_space<hbm>>, %arg3: memref<1000000x64xf32, #tpu.memory_space<hbm>>, %arg4: memref<200x64xf32, #tpu.memory_space<hbm>>, %arg5: memref<4096x200x64xf32, #tpu.memory_space<hbm>>, %arg6: memref<200x64xf32, #tpu.memory_space<vmem>>, %arg7: memref<200xi32, #tpu.memory_space<vmem>>, %arg8: memref<200xi32, #tpu.memory_space<vmem>>, %arg9: memref<2x200x64xf32, #tpu.memory_space<vmem>>, %arg10: memref<!tpu.dma_semaphore, #tpu.memory_space<semaphore_mem>>) attributes {dimension_semantics = [#tpu.dimension_semantics<core_parallel>, #tpu.dimension_semantics<subcore_parallel>], iteration_bounds = array<i64: 2, 16>, scalar_prefetch = 0 : i64, scratch_operands = 5 : i64, tpu.core_type = #tpu.core_type<sc_vector_subcore>, window_params = [{transform_indices = #map}, {transform_indices = #map}, {transform_indices = #map}, {transform_indices = #map1}]} {
    %mul3A = arith.constant 2 : i32
    %mul3A_0 = arith.muli %arg1, %mul3A : i32
    %add3A = arith.addi %mul3A_0, %arg0 : i32
    %mul3A_1 = arith.constant 128 : i32
    %mul3A_2 = arith.muli %add3A, %mul3A_1 : i32
    "tpu.region"() ({
      %run_scoped3A = tpu.sem_alloc : memref<!tpu.dma_semaphore, #tpu.memory_space<semaphore_mem>>
      tpu.enqueue_dma source(%arg4 : memref<200x64xf32, #tpu.memory_space<hbm>>) target(%arg6 : memref<200x64xf32, #tpu.memory_space<vmem>>) target_semaphore(%run_scoped3A : memref<!tpu.dma_semaphore, #tpu.memory_space<semaphore_mem>>)
      tpu.wait_dma2 semaphore(%run_scoped3A : memref<!tpu.dma_semaphore, #tpu.memory_space<semaphore_mem>>) src(%arg4 : memref<200x64xf32, #tpu.memory_space<hbm>>) dst(%arg6 : memref<200x64xf32, #tpu.memory_space<vmem>>)
      tpu.yield
    }) : () -> ()
    %scan3A = arith.constant 0 : i32
    %scan3A_3 = arith.constant 0 : i32
    %scan3A_4 = arith.constant 64 : i32
    %scan3A_5 = arith.addi %scan3A_3, %scan3A_4 : i32
    %scan3A_6 = arith.constant 1 : i32
    scf.for %scan3A_8 = %scan3A_3 to %scan3A_5 step %scan3A_6  : i32 {
      %mul3A_9 = arith.constant 2 : i32
      %mul3A_10 = arith.muli %scan3A_8, %mul3A_9 : i32
      %add3A_11 = arith.addi %mul3A_2, %mul3A_10 : i32
      %add3A_12 = arith.constant 0 : i32
      %add3A_13 = arith.addi %add3A_11, %add3A_12 : i32
      "tpu.region"() ({
        %run_scoped3A = tpu.sem_alloc : memref<!tpu.dma_semaphore, #tpu.memory_space<semaphore_mem>>
        %dma_start3A_100 = arith.constant 0 : i32
        %dma_start3A_101 = tpu.memref_slice %arg2[%add3A_13, %dma_start3A_100] : memref<4096x200xi32, #tpu.memory_space<hbm>> -> memref<1x200xi32, #tpu.memory_space<hbm>>
        %dma_start3A_102 = tpu.memref_squeeze %dma_start3A_101 : memref<1x200xi32, #tpu.memory_space<hbm>> -> memref<200xi32, #tpu.memory_space<hbm>>
        %dma_start3A_103 = arith.constant 0 : i32
        %dma_start3A_104 = tpu.memref_slice %arg2[%add3A_13, %dma_start3A_103] : memref<4096x200xi32, #tpu.memory_space<hbm>> -> memref<1x200xi32, #tpu.memory_space<hbm>>
        %dma_start3A_105 = tpu.memref_squeeze %dma_start3A_104 : memref<1x200xi32, #tpu.memory_space<hbm>> -> memref<200xi32, #tpu.memory_space<hbm>>
        tpu.enqueue_dma source(%dma_start3A_105 : memref<200xi32, #tpu.memory_space<hbm>>) target(%arg7 : memref<200xi32, #tpu.memory_space<vmem>>) target_semaphore(%run_scoped3A : memref<!tpu.dma_semaphore, #tpu.memory_space<semaphore_mem>>)
        %dma_wait3A_106 = arith.constant 0 : i32
        %dma_wait3A_107 = tpu.memref_slice %arg2[%add3A_13, %dma_wait3A_106] : memref<4096x200xi32, #tpu.memory_space<hbm>> -> memref<1x200xi32, #tpu.memory_space<hbm>>
        %dma_wait3A_108 = tpu.memref_squeeze %dma_wait3A_107 : memref<1x200xi32, #tpu.memory_space<hbm>> -> memref<200xi32, #tpu.memory_space<hbm>>
        %dma_wait3A_109 = arith.constant 0 : i32
        %dma_wait3A_110 = tpu.memref_slice %arg2[%add3A_13, %dma_wait3A_109] : memref<4096x200xi32, #tpu.memory_space<hbm>> -> memref<1x200xi32, #tpu.memory_space<hbm>>
        %dma_wait3A_111 = tpu.memref_squeeze %dma_wait3A_110 : memref<1x200xi32, #tpu.memory_space<hbm>> -> memref<200xi32, #tpu.memory_space<hbm>>
        tpu.wait_dma2 semaphore(%run_scoped3A : memref<!tpu.dma_semaphore, #tpu.memory_space<semaphore_mem>>) src(%dma_wait3A_111 : memref<200xi32, #tpu.memory_space<hbm>>) dst(%arg7 : memref<200xi32, #tpu.memory_space<vmem>>)
        tpu.yield
      }) : () -> ()
      %add3A_14 = arith.constant 1 : i32
      %add3A_15 = arith.addi %add3A_11, %add3A_14 : i32
      "tpu.region"() ({
        %run_scoped3A = tpu.sem_alloc : memref<!tpu.dma_semaphore, #tpu.memory_space<semaphore_mem>>
        %dma_start3A_100 = arith.constant 0 : i32
        %dma_start3A_101 = tpu.memref_slice %arg2[%add3A_15, %dma_start3A_100] : memref<4096x200xi32, #tpu.memory_space<hbm>> -> memref<1x200xi32, #tpu.memory_space<hbm>>
        %dma_start3A_102 = tpu.memref_squeeze %dma_start3A_101 : memref<1x200xi32, #tpu.memory_space<hbm>> -> memref<200xi32, #tpu.memory_space<hbm>>
        %dma_start3A_103 = arith.constant 0 : i32
        %dma_start3A_104 = tpu.memref_slice %arg2[%add3A_15, %dma_start3A_103] : memref<4096x200xi32, #tpu.memory_space<hbm>> -> memref<1x200xi32, #tpu.memory_space<hbm>>
        %dma_start3A_105 = tpu.memref_squeeze %dma_start3A_104 : memref<1x200xi32, #tpu.memory_space<hbm>> -> memref<200xi32, #tpu.memory_space<hbm>>
        tpu.enqueue_dma source(%dma_start3A_105 : memref<200xi32, #tpu.memory_space<hbm>>) target(%arg8 : memref<200xi32, #tpu.memory_space<vmem>>) target_semaphore(%run_scoped3A : memref<!tpu.dma_semaphore, #tpu.memory_space<semaphore_mem>>)
        %dma_wait3A_106 = arith.constant 0 : i32
        %dma_wait3A_107 = tpu.memref_slice %arg2[%add3A_15, %dma_wait3A_106] : memref<4096x200xi32, #tpu.memory_space<hbm>> -> memref<1x200xi32, #tpu.memory_space<hbm>>
        %dma_wait3A_108 = tpu.memref_squeeze %dma_wait3A_107 : memref<1x200xi32, #tpu.memory_space<hbm>> -> memref<200xi32, #tpu.memory_space<hbm>>
        %dma_wait3A_109 = arith.constant 0 : i32
        %dma_wait3A_110 = tpu.memref_slice %arg2[%add3A_15, %dma_wait3A_109] : memref<4096x200xi32, #tpu.memory_space<hbm>> -> memref<1x200xi32, #tpu.memory_space<hbm>>
        %dma_wait3A_111 = tpu.memref_squeeze %dma_wait3A_110 : memref<1x200xi32, #tpu.memory_space<hbm>> -> memref<200xi32, #tpu.memory_space<hbm>>
        tpu.wait_dma2 semaphore(%run_scoped3A : memref<!tpu.dma_semaphore, #tpu.memory_space<semaphore_mem>>) src(%dma_wait3A_111 : memref<200xi32, #tpu.memory_space<hbm>>) dst(%arg8 : memref<200xi32, #tpu.memory_space<vmem>>)
        tpu.yield
      }) : () -> ()
      %dma_start3A = arith.constant 0 : i32
      %dma_start3A_16 = arith.constant 0 : i32
      %dma_start3A_17 = arith.constant 0 : i32
      %dma_start3A_18 = tpu.memref_slice %arg9[%dma_start3A, %dma_start3A_16, %dma_start3A_17] : memref<2x200x64xf32, #tpu.memory_space<vmem>> -> memref<1x128x64xf32, #tpu.memory_space<vmem>>
      %dma_start3A_19 = tpu.memref_squeeze %dma_start3A_18 : memref<1x128x64xf32, #tpu.memory_space<vmem>> -> memref<128x64xf32, #tpu.memory_space<vmem>>
      %dma_start3A_20 = arith.constant 0 : i32
      %dma_start3A_21 = tpu.memref_slice %arg7[%dma_start3A_20] : memref<200xi32, #tpu.memory_space<vmem>> -> memref<128xi32, #tpu.memory_space<vmem>>
      %dma_start3A_22 = arith.constant 0 : i32
      %dma_start3A_23 = arith.constant 0 : i32
      %dma_start3A_24 = tpu.memref_slice %arg3[%dma_start3A_22, %dma_start3A_23] : memref<1000000x64xf32, #tpu.memory_space<hbm>> -> memref<1000000x64xf32, #tpu.memory_space<hbm>>
      tpu.enqueue_indirect_dma source(%dma_start3A_24 : memref<1000000x64xf32, #tpu.memory_space<hbm>>) target(%dma_start3A_19 : memref<128x64xf32, #tpu.memory_space<vmem>>) offsets(%dma_start3A_21 : memref<128xi32, #tpu.memory_space<vmem>>) semaphore(%arg10 : memref<!tpu.dma_semaphore, #tpu.memory_space<semaphore_mem>>)
      %dma_start3A_25 = arith.constant 0 : i32
      %dma_start3A_26 = arith.constant 128 : i32
      %dma_start3A_27 = arith.constant 0 : i32
      %dma_start3A_28 = tpu.memref_slice %arg9[%dma_start3A_25, %dma_start3A_26, %dma_start3A_27] : memref<2x200x64xf32, #tpu.memory_space<vmem>> -> memref<1x72x64xf32, #tpu.memory_space<vmem>>
      %dma_start3A_29 = tpu.memref_squeeze %dma_start3A_28 : memref<1x72x64xf32, #tpu.memory_space<vmem>> -> memref<72x64xf32, #tpu.memory_space<vmem>>
      %dma_start3A_30 = arith.constant 128 : i32
      %dma_start3A_31 = tpu.memref_slice %arg7[%dma_start3A_30] : memref<200xi32, #tpu.memory_space<vmem>> -> memref<72xi32, #tpu.memory_space<vmem>>
      %dma_start3A_32 = arith.constant 0 : i32
      %dma_start3A_33 = arith.constant 0 : i32
      %dma_start3A_34 = tpu.memref_slice %arg3[%dma_start3A_32, %dma_start3A_33] : memref<1000000x64xf32, #tpu.memory_space<hbm>> -> memref<1000000x64xf32, #tpu.memory_space<hbm>>
      tpu.enqueue_indirect_dma source(%dma_start3A_34 : memref<1000000x64xf32, #tpu.memory_space<hbm>>) target(%dma_start3A_29 : memref<72x64xf32, #tpu.memory_space<vmem>>) offsets(%dma_start3A_31 : memref<72xi32, #tpu.memory_space<vmem>>) semaphore(%arg10 : memref<!tpu.dma_semaphore, #tpu.memory_space<semaphore_mem>>)
      %dma_start3A_35 = arith.constant 1 : i32
      %dma_start3A_36 = arith.constant 0 : i32
      %dma_start3A_37 = arith.constant 0 : i32
      %dma_start3A_38 = tpu.memref_slice %arg9[%dma_start3A_35, %dma_start3A_36, %dma_start3A_37] : memref<2x200x64xf32, #tpu.memory_space<vmem>> -> memref<1x128x64xf32, #tpu.memory_space<vmem>>
      %dma_start3A_39 = tpu.memref_squeeze %dma_start3A_38 : memref<1x128x64xf32, #tpu.memory_space<vmem>> -> memref<128x64xf32, #tpu.memory_space<vmem>>
      %dma_start3A_40 = arith.constant 0 : i32
      %dma_start3A_41 = tpu.memref_slice %arg8[%dma_start3A_40] : memref<200xi32, #tpu.memory_space<vmem>> -> memref<128xi32, #tpu.memory_space<vmem>>
      %dma_start3A_42 = arith.constant 0 : i32
      %dma_start3A_43 = arith.constant 0 : i32
      %dma_start3A_44 = tpu.memref_slice %arg3[%dma_start3A_42, %dma_start3A_43] : memref<1000000x64xf32, #tpu.memory_space<hbm>> -> memref<1000000x64xf32, #tpu.memory_space<hbm>>
      tpu.enqueue_indirect_dma source(%dma_start3A_44 : memref<1000000x64xf32, #tpu.memory_space<hbm>>) target(%dma_start3A_39 : memref<128x64xf32, #tpu.memory_space<vmem>>) offsets(%dma_start3A_41 : memref<128xi32, #tpu.memory_space<vmem>>) semaphore(%arg10 : memref<!tpu.dma_semaphore, #tpu.memory_space<semaphore_mem>>)
      %dma_start3A_45 = arith.constant 1 : i32
      %dma_start3A_46 = arith.constant 128 : i32
      %dma_start3A_47 = arith.constant 0 : i32
      %dma_start3A_48 = tpu.memref_slice %arg9[%dma_start3A_45, %dma_start3A_46, %dma_start3A_47] : memref<2x200x64xf32, #tpu.memory_space<vmem>> -> memref<1x72x64xf32, #tpu.memory_space<vmem>>
      %dma_start3A_49 = tpu.memref_squeeze %dma_start3A_48 : memref<1x72x64xf32, #tpu.memory_space<vmem>> -> memref<72x64xf32, #tpu.memory_space<vmem>>
      %dma_start3A_50 = arith.constant 128 : i32
      %dma_start3A_51 = tpu.memref_slice %arg8[%dma_start3A_50] : memref<200xi32, #tpu.memory_space<vmem>> -> memref<72xi32, #tpu.memory_space<vmem>>
      %dma_start3A_52 = arith.constant 0 : i32
      %dma_start3A_53 = arith.constant 0 : i32
      %dma_start3A_54 = tpu.memref_slice %arg3[%dma_start3A_52, %dma_start3A_53] : memref<1000000x64xf32, #tpu.memory_space<hbm>> -> memref<1000000x64xf32, #tpu.memory_space<hbm>>
      tpu.enqueue_indirect_dma source(%dma_start3A_54 : memref<1000000x64xf32, #tpu.memory_space<hbm>>) target(%dma_start3A_49 : memref<72x64xf32, #tpu.memory_space<vmem>>) offsets(%dma_start3A_51 : memref<72xi32, #tpu.memory_space<vmem>>) semaphore(%arg10 : memref<!tpu.dma_semaphore, #tpu.memory_space<semaphore_mem>>)
      %dma_wait3A = arith.constant 0 : i32
      %dma_wait3A_55 = arith.constant 0 : i32
      %dma_wait3A_56 = arith.constant 0 : i32
      %dma_wait3A_57 = tpu.memref_slice %arg9[%dma_wait3A, %dma_wait3A_55, %dma_wait3A_56] : memref<2x200x64xf32, #tpu.memory_space<vmem>> -> memref<1x128x64xf32, #tpu.memory_space<vmem>>
      %dma_wait3A_58 = tpu.memref_squeeze %dma_wait3A_57 : memref<1x128x64xf32, #tpu.memory_space<vmem>> -> memref<128x64xf32, #tpu.memory_space<vmem>>
      %dma_wait3A_59 = arith.constant 0 : i32
      %dma_wait3A_60 = tpu.memref_slice %arg7[%dma_wait3A_59] : memref<200xi32, #tpu.memory_space<vmem>> -> memref<128xi32, #tpu.memory_space<vmem>>
      %dma_wait3A_61 = arith.constant 0 : i32
      %dma_wait3A_62 = arith.constant 0 : i32
      %dma_wait3A_63 = tpu.memref_slice %arg3[%dma_wait3A_61, %dma_wait3A_62] : memref<1000000x64xf32, #tpu.memory_space<hbm>> -> memref<1000000x64xf32, #tpu.memory_space<hbm>>
      tpu.wait_indirect_dma semaphore(%arg10 : memref<!tpu.dma_semaphore, #tpu.memory_space<semaphore_mem>>) src(%dma_wait3A_63 : memref<1000000x64xf32, #tpu.memory_space<hbm>>) dst(%dma_wait3A_58 : memref<128x64xf32, #tpu.memory_space<vmem>>)
      %dma_wait3A_64 = arith.constant 0 : i32
      %dma_wait3A_65 = arith.constant 128 : i32
      %dma_wait3A_66 = arith.constant 0 : i32
      %dma_wait3A_67 = tpu.memref_slice %arg9[%dma_wait3A_64, %dma_wait3A_65, %dma_wait3A_66] : memref<2x200x64xf32, #tpu.memory_space<vmem>> -> memref<1x72x64xf32, #tpu.memory_space<vmem>>
      %dma_wait3A_68 = tpu.memref_squeeze %dma_wait3A_67 : memref<1x72x64xf32, #tpu.memory_space<vmem>> -> memref<72x64xf32, #tpu.memory_space<vmem>>
      %dma_wait3A_69 = arith.constant 128 : i32
      %dma_wait3A_70 = tpu.memref_slice %arg7[%dma_wait3A_69] : memref<200xi32, #tpu.memory_space<vmem>> -> memref<72xi32, #tpu.memory_space<vmem>>
      %dma_wait3A_71 = arith.constant 0 : i32
      %dma_wait3A_72 = arith.constant 0 : i32
      %dma_wait3A_73 = tpu.memref_slice %arg3[%dma_wait3A_71, %dma_wait3A_72] : memref<1000000x64xf32, #tpu.memory_space<hbm>> -> memref<1000000x64xf32, #tpu.memory_space<hbm>>
      tpu.wait_indirect_dma semaphore(%arg10 : memref<!tpu.dma_semaphore, #tpu.memory_space<semaphore_mem>>) src(%dma_wait3A_73 : memref<1000000x64xf32, #tpu.memory_space<hbm>>) dst(%dma_wait3A_68 : memref<72x64xf32, #tpu.memory_space<vmem>>)
      %dma_wait3A_74 = arith.constant 1 : i32
      %dma_wait3A_75 = arith.constant 0 : i32
      %dma_wait3A_76 = arith.constant 0 : i32
      %dma_wait3A_77 = tpu.memref_slice %arg9[%dma_wait3A_74, %dma_wait3A_75, %dma_wait3A_76] : memref<2x200x64xf32, #tpu.memory_space<vmem>> -> memref<1x128x64xf32, #tpu.memory_space<vmem>>
      %dma_wait3A_78 = tpu.memref_squeeze %dma_wait3A_77 : memref<1x128x64xf32, #tpu.memory_space<vmem>> -> memref<128x64xf32, #tpu.memory_space<vmem>>
      %dma_wait3A_79 = arith.constant 0 : i32
      %dma_wait3A_80 = tpu.memref_slice %arg8[%dma_wait3A_79] : memref<200xi32, #tpu.memory_space<vmem>> -> memref<128xi32, #tpu.memory_space<vmem>>
      %dma_wait3A_81 = arith.constant 0 : i32
      %dma_wait3A_82 = arith.constant 0 : i32
      %dma_wait3A_83 = tpu.memref_slice %arg3[%dma_wait3A_81, %dma_wait3A_82] : memref<1000000x64xf32, #tpu.memory_space<hbm>> -> memref<1000000x64xf32, #tpu.memory_space<hbm>>
      tpu.wait_indirect_dma semaphore(%arg10 : memref<!tpu.dma_semaphore, #tpu.memory_space<semaphore_mem>>) src(%dma_wait3A_83 : memref<1000000x64xf32, #tpu.memory_space<hbm>>) dst(%dma_wait3A_78 : memref<128x64xf32, #tpu.memory_space<vmem>>)
      %dma_wait3A_84 = arith.constant 1 : i32
      %dma_wait3A_85 = arith.constant 128 : i32
      %dma_wait3A_86 = arith.constant 0 : i32
      %dma_wait3A_87 = tpu.memref_slice %arg9[%dma_wait3A_84, %dma_wait3A_85, %dma_wait3A_86] : memref<2x200x64xf32, #tpu.memory_space<vmem>> -> memref<1x72x64xf32, #tpu.memory_space<vmem>>
      %dma_wait3A_88 = tpu.memref_squeeze %dma_wait3A_87 : memref<1x72x64xf32, #tpu.memory_space<vmem>> -> memref<72x64xf32, #tpu.memory_space<vmem>>
      %dma_wait3A_89 = arith.constant 128 : i32
      %dma_wait3A_90 = tpu.memref_slice %arg8[%dma_wait3A_89] : memref<200xi32, #tpu.memory_space<vmem>> -> memref<72xi32, #tpu.memory_space<vmem>>
      %dma_wait3A_91 = arith.constant 0 : i32
      %dma_wait3A_92 = arith.constant 0 : i32
      %dma_wait3A_93 = tpu.memref_slice %arg3[%dma_wait3A_91, %dma_wait3A_92] : memref<1000000x64xf32, #tpu.memory_space<hbm>> -> memref<1000000x64xf32, #tpu.memory_space<hbm>>
      tpu.wait_indirect_dma semaphore(%arg10 : memref<!tpu.dma_semaphore, #tpu.memory_space<semaphore_mem>>) src(%dma_wait3A_93 : memref<1000000x64xf32, #tpu.memory_space<hbm>>) dst(%dma_wait3A_88 : memref<72x64xf32, #tpu.memory_space<vmem>>)
      %scan3A_94 = arith.constant 0 : i32
      %scan3A_95 = arith.constant 0 : i32
      %scan3A_96 = arith.constant 200 : i32
      %scan3A_97 = arith.addi %scan3A_95, %scan3A_96 : i32
      %scan3A_98 = arith.constant 1 : i32
      scf.for %scan3A_100 = %scan3A_95 to %scan3A_97 step %scan3A_98  : i32 {
        %get3A = arith.index_cast %scan3A_100 : i32 to index
        %get3A_101 = arith.constant 0 : index
        %get3A_102 = tpu.vector_load %arg6[%get3A, %get3A_101] {strides = array<i32>} : memref<200x64xf32, #tpu.memory_space<vmem>>, vector<1x16xf32>,
        %get3A_103 = vector.shape_cast %get3A_102 : vector<1x16xf32> to vector<16xf32>
        %get3A_104 = arith.constant 0 : i32
        %get3A_105 = arith.index_cast %get3A_104 : i32 to index
        %get3A_106 = arith.index_cast %scan3A_100 : i32 to index
        %get3A_107 = arith.constant 0 : index
        %get3A_108 = tpu.vector_load %arg9[%get3A_105, %get3A_106, %get3A_107] {strides = array<i32>} : memref<2x200x64xf32, #tpu.memory_space<vmem>>, vector<1x1x16xf32>,
        %get3A_109 = vector.shape_cast %get3A_108 : vector<1x1x16xf32> to vector<16xf32>
        %mul3A_110 = arith.constant 8.000000e+00 : f32
        %mul3A_111 = vector.broadcast %mul3A_110 : f32 to vector<16xf32>
        %mul3A_112 = arith.mulf %get3A_109, %mul3A_111 : vector<16xf32>
        %add3A_113 = arith.addf %mul3A_112, %get3A_103 : vector<16xf32>
        %swap3A = arith.constant 0 : i32
        %swap3A_114 = arith.index_cast %swap3A : i32 to index
        %swap3A_115 = arith.index_cast %scan3A_100 : i32 to index
        %swap3A_116 = arith.constant 0 : index
        %swap3A_117 = tpu.vector_load %arg9[%swap3A_114, %swap3A_115, %swap3A_116] {strides = array<i32>} : memref<2x200x64xf32, #tpu.memory_space<vmem>>, vector<1x1x16xf32>,
        %swap3A_118 = vector.shape_cast %swap3A_117 : vector<1x1x16xf32> to vector<16xf32>
        %swap3A_119 = vector.shape_cast %add3A_113 : vector<16xf32> to vector<1x1x16xf32>
        tpu.vector_store %arg9[%swap3A_114, %swap3A_115, %swap3A_116], %swap3A_119 {strides = array<i32>} : memref<2x200x64xf32, #tpu.memory_space<vmem>>, vector<1x1x16xf32>,
        %get3A_120 = arith.constant 1 : i32
        %get3A_121 = arith.index_cast %get3A_120 : i32 to index
        %get3A_122 = arith.index_cast %scan3A_100 : i32 to index
        %get3A_123 = arith.constant 0 : index
        %get3A_124 = tpu.vector_load %arg9[%get3A_121, %get3A_122, %get3A_123] {strides = array<i32>} : memref<2x200x64xf32, #tpu.memory_space<vmem>>, vector<1x1x16xf32>,
        %get3A_125 = vector.shape_cast %get3A_124 : vector<1x1x16xf32> to vector<16xf32>
        %mul3A_126 = arith.constant 8.000000e+00 : f32
        %mul3A_127 = vector.broadcast %mul3A_126 : f32 to vector<16xf32>
        %mul3A_128 = arith.mulf %get3A_125, %mul3A_127 : vector<16xf32>
        %add3A_129 = arith.addf %mul3A_128, %get3A_103 : vector<16xf32>
        %swap3A_130 = arith.constant 1 : i32
        %swap3A_131 = arith.index_cast %swap3A_130 : i32 to index
        %swap3A_132 = arith.index_cast %scan3A_100 : i32 to index
        %swap3A_133 = arith.constant 0 : index
        %swap3A_134 = tpu.vector_load %arg9[%swap3A_131, %swap3A_132, %swap3A_133] {strides = array<i32>} : memref<2x200x64xf32, #tpu.memory_space<vmem>>, vector<1x1x16xf32>,
        %swap3A_135 = vector.shape_cast %swap3A_134 : vector<1x1x16xf32> to vector<16xf32>
        %swap3A_136 = vector.shape_cast %add3A_129 : vector<16xf32> to vector<1x1x16xf32>
        tpu.vector_store %arg9[%swap3A_131, %swap3A_132, %swap3A_133], %swap3A_136 {strides = array<i32>} : memref<2x200x64xf32, #tpu.memory_space<vmem>>, vector<1x1x16xf32>,
        %get3A_137 = arith.index_cast %scan3A_100 : i32 to index
        %get3A_138 = arith.constant 16 : index
        %get3A_139 = tpu.vector_load %arg6[%get3A_137, %get3A_138] {strides = array<i32>} : memref<200x64xf32, #tpu.memory_space<vmem>>, vector<1x16xf32>,
        %get3A_140 = vector.shape_cast %get3A_139 : vector<1x16xf32> to vector<16xf32>
        %get3A_141 = arith.constant 0 : i32
        %get3A_142 = arith.index_cast %get3A_141 : i32 to index
        %get3A_143 = arith.index_cast %scan3A_100 : i32 to index
        %get3A_144 = arith.constant 16 : index
        %get3A_145 = tpu.vector_load %arg9[%get3A_142, %get3A_143, %get3A_144] {strides = array<i32>} : memref<2x200x64xf32, #tpu.memory_space<vmem>>, vector<1x1x16xf32>,
        %get3A_146 = vector.shape_cast %get3A_145 : vector<1x1x16xf32> to vector<16xf32>
        %mul3A_147 = arith.constant 8.000000e+00 : f32
        %mul3A_148 = vector.broadcast %mul3A_147 : f32 to vector<16xf32>
        %mul3A_149 = arith.mulf %get3A_146, %mul3A_148 : vector<16xf32>
        %add3A_150 = arith.addf %mul3A_149, %get3A_140 : vector<16xf32>
        %swap3A_151 = arith.constant 0 : i32
        %swap3A_152 = arith.index_cast %swap3A_151 : i32 to index
        %swap3A_153 = arith.index_cast %scan3A_100 : i32 to index
        %swap3A_154 = arith.constant 16 : index
        %swap3A_155 = tpu.vector_load %arg9[%swap3A_152, %swap3A_153, %swap3A_154] {strides = array<i32>} : memref<2x200x64xf32, #tpu.memory_space<vmem>>, vector<1x1x16xf32>,
        %swap3A_156 = vector.shape_cast %swap3A_155 : vector<1x1x16xf32> to vector<16xf32>
        %swap3A_157 = vector.shape_cast %add3A_150 : vector<16xf32> to vector<1x1x16xf32>
        tpu.vector_store %arg9[%swap3A_152, %swap3A_153, %swap3A_154], %swap3A_157 {strides = array<i32>} : memref<2x200x64xf32, #tpu.memory_space<vmem>>, vector<1x1x16xf32>,
        %get3A_158 = arith.constant 1 : i32
        %get3A_159 = arith.index_cast %get3A_158 : i32 to index
        %get3A_160 = arith.index_cast %scan3A_100 : i32 to index
        %get3A_161 = arith.constant 16 : index
        %get3A_162 = tpu.vector_load %arg9[%get3A_159, %get3A_160, %get3A_161] {strides = array<i32>} : memref<2x200x64xf32, #tpu.memory_space<vmem>>, vector<1x1x16xf32>,
        %get3A_163 = vector.shape_cast %get3A_162 : vector<1x1x16xf32> to vector<16xf32>
        %mul3A_164 = arith.constant 8.000000e+00 : f32
        %mul3A_165 = vector.broadcast %mul3A_164 : f32 to vector<16xf32>
        %mul3A_166 = arith.mulf %get3A_163, %mul3A_165 : vector<16xf32>
        %add3A_167 = arith.addf %mul3A_166, %get3A_140 : vector<16xf32>
        %swap3A_168 = arith.constant 1 : i32
        %swap3A_169 = arith.index_cast %swap3A_168 : i32 to index
        %swap3A_170 = arith.index_cast %scan3A_100 : i32 to index
        %swap3A_171 = arith.constant 16 : index
        %swap3A_172 = tpu.vector_load %arg9[%swap3A_169, %swap3A_170, %swap3A_171] {strides = array<i32>} : memref<2x200x64xf32, #tpu.memory_space<vmem>>, vector<1x1x16xf32>,
        %swap3A_173 = vector.shape_cast %swap3A_172 : vector<1x1x16xf32> to vector<16xf32>
        %swap3A_174 = vector.shape_cast %add3A_167 : vector<16xf32> to vector<1x1x16xf32>
        tpu.vector_store %arg9[%swap3A_169, %swap3A_170, %swap3A_171], %swap3A_174 {strides = array<i32>} : memref<2x200x64xf32, #tpu.memory_space<vmem>>, vector<1x1x16xf32>,
        %get3A_175 = arith.index_cast %scan3A_100 : i32 to index
        %get3A_176 = arith.constant 32 : index
        %get3A_177 = tpu.vector_load %arg6[%get3A_175, %get3A_176] {strides = array<i32>} : memref<200x64xf32, #tpu.memory_space<vmem>>, vector<1x16xf32>,
        %get3A_178 = vector.shape_cast %get3A_177 : vector<1x16xf32> to vector<16xf32>
        %get3A_179 = arith.constant 0 : i32
        %get3A_180 = arith.index_cast %get3A_179 : i32 to index
        %get3A_181 = arith.index_cast %scan3A_100 : i32 to index
        %get3A_182 = arith.constant 32 : index
        %get3A_183 = tpu.vector_load %arg9[%get3A_180, %get3A_181, %get3A_182] {strides = array<i32>} : memref<2x200x64xf32, #tpu.memory_space<vmem>>, vector<1x1x16xf32>,
        %get3A_184 = vector.shape_cast %get3A_183 : vector<1x1x16xf32> to vector<16xf32>
        %mul3A_185 = arith.constant 8.000000e+00 : f32
        %mul3A_186 = vector.broadcast %mul3A_185 : f32 to vector<16xf32>
        %mul3A_187 = arith.mulf %get3A_184, %mul3A_186 : vector<16xf32>
        %add3A_188 = arith.addf %mul3A_187, %get3A_178 : vector<16xf32>
        %swap3A_189 = arith.constant 0 : i32
        %swap3A_190 = arith.index_cast %swap3A_189 : i32 to index
        %swap3A_191 = arith.index_cast %scan3A_100 : i32 to index
        %swap3A_192 = arith.constant 32 : index
        %swap3A_193 = tpu.vector_load %arg9[%swap3A_190, %swap3A_191, %swap3A_192] {strides = array<i32>} : memref<2x200x64xf32, #tpu.memory_space<vmem>>, vector<1x1x16xf32>,
        %swap3A_194 = vector.shape_cast %swap3A_193 : vector<1x1x16xf32> to vector<16xf32>
        %swap3A_195 = vector.shape_cast %add3A_188 : vector<16xf32> to vector<1x1x16xf32>
        tpu.vector_store %arg9[%swap3A_190, %swap3A_191, %swap3A_192], %swap3A_195 {strides = array<i32>} : memref<2x200x64xf32, #tpu.memory_space<vmem>>, vector<1x1x16xf32>,
        %get3A_196 = arith.constant 1 : i32
        %get3A_197 = arith.index_cast %get3A_196 : i32 to index
        %get3A_198 = arith.index_cast %scan3A_100 : i32 to index
        %get3A_199 = arith.constant 32 : index
        %get3A_200 = tpu.vector_load %arg9[%get3A_197, %get3A_198, %get3A_199] {strides = array<i32>} : memref<2x200x64xf32, #tpu.memory_space<vmem>>, vector<1x1x16xf32>,
        %get3A_201 = vector.shape_cast %get3A_200 : vector<1x1x16xf32> to vector<16xf32>
        %mul3A_202 = arith.constant 8.000000e+00 : f32
        %mul3A_203 = vector.broadcast %mul3A_202 : f32 to vector<16xf32>
        %mul3A_204 = arith.mulf %get3A_201, %mul3A_203 : vector<16xf32>
        %add3A_205 = arith.addf %mul3A_204, %get3A_178 : vector<16xf32>
        %swap3A_206 = arith.constant 1 : i32
        %swap3A_207 = arith.index_cast %swap3A_206 : i32 to index
        %swap3A_208 = arith.index_cast %scan3A_100 : i32 to index
        %swap3A_209 = arith.constant 32 : index
        %swap3A_210 = tpu.vector_load %arg9[%swap3A_207, %swap3A_208, %swap3A_209] {strides = array<i32>} : memref<2x200x64xf32, #tpu.memory_space<vmem>>, vector<1x1x16xf32>,
        %swap3A_211 = vector.shape_cast %swap3A_210 : vector<1x1x16xf32> to vector<16xf32>
        %swap3A_212 = vector.shape_cast %add3A_205 : vector<16xf32> to vector<1x1x16xf32>
        tpu.vector_store %arg9[%swap3A_207, %swap3A_208, %swap3A_209], %swap3A_212 {strides = array<i32>} : memref<2x200x64xf32, #tpu.memory_space<vmem>>, vector<1x1x16xf32>,
        %get3A_213 = arith.index_cast %scan3A_100 : i32 to index
        %get3A_214 = arith.constant 48 : index
        %get3A_215 = tpu.vector_load %arg6[%get3A_213, %get3A_214] {strides = array<i32>} : memref<200x64xf32, #tpu.memory_space<vmem>>, vector<1x16xf32>,
        %get3A_216 = vector.shape_cast %get3A_215 : vector<1x16xf32> to vector<16xf32>
        %get3A_217 = arith.constant 0 : i32
        %get3A_218 = arith.index_cast %get3A_217 : i32 to index
        %get3A_219 = arith.index_cast %scan3A_100 : i32 to index
        %get3A_220 = arith.constant 48 : index
        %get3A_221 = tpu.vector_load %arg9[%get3A_218, %get3A_219, %get3A_220] {strides = array<i32>} : memref<2x200x64xf32, #tpu.memory_space<vmem>>, vector<1x1x16xf32>,
        %get3A_222 = vector.shape_cast %get3A_221 : vector<1x1x16xf32> to vector<16xf32>
        %mul3A_223 = arith.constant 8.000000e+00 : f32
        %mul3A_224 = vector.broadcast %mul3A_223 : f32 to vector<16xf32>
        %mul3A_225 = arith.mulf %get3A_222, %mul3A_224 : vector<16xf32>
        %add3A_226 = arith.addf %mul3A_225, %get3A_216 : vector<16xf32>
        %swap3A_227 = arith.constant 0 : i32
        %swap3A_228 = arith.index_cast %swap3A_227 : i32 to index
        %swap3A_229 = arith.index_cast %scan3A_100 : i32 to index
        %swap3A_230 = arith.constant 48 : index
        %swap3A_231 = tpu.vector_load %arg9[%swap3A_228, %swap3A_229, %swap3A_230] {strides = array<i32>} : memref<2x200x64xf32, #tpu.memory_space<vmem>>, vector<1x1x16xf32>,
        %swap3A_232 = vector.shape_cast %swap3A_231 : vector<1x1x16xf32> to vector<16xf32>
        %swap3A_233 = vector.shape_cast %add3A_226 : vector<16xf32> to vector<1x1x16xf32>
        tpu.vector_store %arg9[%swap3A_228, %swap3A_229, %swap3A_230], %swap3A_233 {strides = array<i32>} : memref<2x200x64xf32, #tpu.memory_space<vmem>>, vector<1x1x16xf32>,
        %get3A_234 = arith.constant 1 : i32
        %get3A_235 = arith.index_cast %get3A_234 : i32 to index
        %get3A_236 = arith.index_cast %scan3A_100 : i32 to index
        %get3A_237 = arith.constant 48 : index
        %get3A_238 = tpu.vector_load %arg9[%get3A_235, %get3A_236, %get3A_237] {strides = array<i32>} : memref<2x200x64xf32, #tpu.memory_space<vmem>>, vector<1x1x16xf32>,
        %get3A_239 = vector.shape_cast %get3A_238 : vector<1x1x16xf32> to vector<16xf32>
        %mul3A_240 = arith.constant 8.000000e+00 : f32
        %mul3A_241 = vector.broadcast %mul3A_240 : f32 to vector<16xf32>
        %mul3A_242 = arith.mulf %get3A_239, %mul3A_241 : vector<16xf32>
        %add3A_243 = arith.addf %mul3A_242, %get3A_216 : vector<16xf32>
        %swap3A_244 = arith.constant 1 : i32
        %swap3A_245 = arith.index_cast %swap3A_244 : i32 to index
        %swap3A_246 = arith.index_cast %scan3A_100 : i32 to index
        %swap3A_247 = arith.constant 48 : index
        %swap3A_248 = tpu.vector_load %arg9[%swap3A_245, %swap3A_246, %swap3A_247] {strides = array<i32>} : memref<2x200x64xf32, #tpu.memory_space<vmem>>, vector<1x1x16xf32>,
        %swap3A_249 = vector.shape_cast %swap3A_248 : vector<1x1x16xf32> to vector<16xf32>
        %swap3A_250 = vector.shape_cast %add3A_243 : vector<16xf32> to vector<1x1x16xf32>
        tpu.vector_store %arg9[%swap3A_245, %swap3A_246, %swap3A_247], %swap3A_250 {strides = array<i32>} : memref<2x200x64xf32, #tpu.memory_space<vmem>>, vector<1x1x16xf32>,
      }
      %scan3A_99 = arith.constant 200 : i32
      "tpu.region"() ({
        %run_scoped3A = tpu.sem_alloc : memref<!tpu.dma_semaphore, #tpu.memory_space<semaphore_mem>>
        %dma_start3A_100 = arith.constant 0 : i32
        %dma_start3A_101 = arith.constant 0 : i32
        %dma_start3A_102 = tpu.memref_slice %arg5[%add3A_11, %dma_start3A_100, %dma_start3A_101] : memref<4096x200x64xf32, #tpu.memory_space<hbm>> -> memref<2x200x64xf32, #tpu.memory_space<hbm>>
        %dma_start3A_103 = arith.constant 0 : i32
        %dma_start3A_104 = arith.constant 0 : i32
        %dma_start3A_105 = tpu.memref_slice %arg5[%add3A_11, %dma_start3A_103, %dma_start3A_104] : memref<4096x200x64xf32, #tpu.memory_space<hbm>> -> memref<2x200x64xf32, #tpu.memory_space<hbm>>
        tpu.enqueue_dma source(%arg9 : memref<2x200x64xf32, #tpu.memory_space<vmem>>) target(%dma_start3A_105 : memref<2x200x64xf32, #tpu.memory_space<hbm>>) target_semaphore(%run_scoped3A : memref<!tpu.dma_semaphore, #tpu.memory_space<semaphore_mem>>)
        %dma_wait3A_106 = arith.constant 0 : i32
        %dma_wait3A_107 = arith.constant 0 : i32
        %dma_wait3A_108 = tpu.memref_slice %arg5[%add3A_11, %dma_wait3A_106, %dma_wait3A_107] : memref<4096x200x64xf32, #tpu.memory_space<hbm>> -> memref<2x200x64xf32, #tpu.memory_space<hbm>>
        %dma_wait3A_109 = arith.constant 0 : i32
        %dma_wait3A_110 = arith.constant 0 : i32
        %dma_wait3A_111 = tpu.memref_slice %arg5[%add3A_11, %dma_wait3A_109, %dma_wait3A_110] : memref<4096x200x64xf32, #tpu.memory_space<hbm>> -> memref<2x200x64xf32, #tpu.memory_space<hbm>>
        tpu.wait_dma2 semaphore(%run_scoped3A : memref<!tpu.dma_semaphore, #tpu.memory_space<semaphore_mem>>) src(%arg9 : memref<2x200x64xf32, #tpu.memory_space<vmem>>) dst(%dma_wait3A_111 : memref<2x200x64xf32, #tpu.memory_space<hbm>>)
        tpu.yield
      }) : () -> ()
    }
    %scan3A_7 = arith.constant 64 : i32
    return
  }
}

</mosaic_0001>

<sc_bundles>
// kernel: kernel.3.cloned.1.call-start
scs
__scs_entry_jumppad:
0x0: {  	(pc) =	sbr.rel $0x88, $3  }
0x1: {  	(tag) =	ssettag $0x0;
	lr =	simm.s32 $0x1  }
0x2: {  	[smem:$0x3F9F] =	sst lr;
	_ =	strace $0xD0000000  }
0x3: {  	_ = 	snop  }
0x4: {  	_ = 	snop  }
0x5: {  	_ = 	snop  }
0x6: {  	_ = 	snop  }
0x7: {  	_ = 	snop  }
__scs_overlays_trampoline_lowered:
0x8: {  	[smem:$0x3FAE] =	sst s0  }
0x9: {  	[smem:$0x3FAF] =	sst s1  }
0xa: {  	[smem:$0x3FB0] =	sst s2  }
0xb: {  	[smem:$0x3FB1] =	sst s3  }
0xc: {  	[smem:$0x3FB2] =	sst s4  }
0xd: {  	[smem:$0x3FB3] =	sst s5  }
0xe: {  	[smem:$0x3FB4] =	sst s6  }
0xf: {  	[smem:$0x3FB5] =	sst s7  }
0x10: {  	[smem:$0x3FB6] =	sst s8  }
0x11: {  	[smem:$0x3FB7] =	sst s9;
	s0 =	simm.s32 @!p0 $0x0  }
0x12: {  	s1 =	sld [smem:$0x3F9D];
	s0 =	simm.s32 @p0 $0x1  }
0x13: {  	[smem:$0x3FB8] =	sst s0;
	s0 =	simm.s32 @!p1 $0x0  }
0x14: {  	s2 =	sld [smem:$0x3F9C];
	s0 =	simm.s32 @p1 $0x1  }
0x15: {  	[smem:$0x3FB9] =	sst s0;
	s0 =	simm.s32 @!p2 $0x0  }
0x16: {  	s3 =	sld [smem:$0x3FDB];
	s0 =	simm.s32 @p2 $0x1  }
0x17: {  	s4 =	simm.s32 $0x1BF5;
	[smem:$0x3FBB] =	sst s0  }
0x18: {  	s0 =	sld [smem:$0x3F9E];
	_ =	swait.ge [sflag:s4], $0x0  }
0x19: {  	s7 =	sld [smem:$0x3F9F]  }
0x1a: {  	s8 =	sadd.s32 $0xFFFFE003, lr  }
0x1b: {  	s9 =	sadd.s32 $0xFFFFFEF7, lr;
	s5 =	simm.s32 $0xFFFFFFFF;
	p2 =	slt.u32 s8, $0xFFFFF086  }
0x1c: {  	p1 =	slt.u32 s9, $0xF7A;
	s5 =	simm.s32 @!p2 $0x0  }
0x1d: {  	s5 =	simm.s32 @p1 $0x1;
	p0 =	seq.s32 s7, s2  }
0x1e: {  	s7 =	smul.u32 @!p0 $0xF7A, s2;
	p2 =	seq.s32 @!p0 s5, $0x0  }
0x1f: {  	s9 =	smul.u32 $0xF7A, s1;
	s8 =	simm.s32 @!p0 $0x1BF5;
	p2 =	por !p2, p0  }
0x20: {  	[sflag:s8] =	ssyncset.s32 @!p0 $0xFFFFF086;
	s6 =	sadd.s32 @!p0 s3, s7;
	s7 =	simm.s32 @!p0 $0x108  }
0x21: {  	s3 =	sadd.s32 s3, s9;
	s6 =	sadd.s32 @!p0 $0x88, s6;
	s7 =	simm.s32 @p2 $0x1082  }
0x22: {  	[simem:s7], [sflag:s8] =	dma.local @!p0 [hbm:s6], $0xF7A  }
0x23: {  	s9 =	sor.u32 $0xD0000000, s2;
	s6 =	simm.s32 $0x108;
	_ =	swait.ge @!p0 [sflag:s8], $0x0  }
0x24: {  	s3 =	sadd.s32 $0x88, s3;
	s6 =	simm.s32 @!p1 $0x1082;
	[sflag:s4] =	ssyncset.s32 $0xFFFFF086  }
0x25: {  	[simem:s6], [sflag:s4] =	dma.local [hbm:s3], $0xF7A  }
0x26: {  	[smem:$0x3F9F] =	sst s1;
	(tag) =	ssettag s2;
	_ =	strace s9  }
0x27: {  	s1 =	sld [smem:$0x3FAF]  }
0x28: {  	s2 =	sld [smem:$0x3FB0]  }
0x29: {  	s4 =	sld [smem:$0x3FB2]  }
0x2a: {  	p0 =	seq.s32 s5, $0x0;
	s5 =	sld [smem:$0x3FB3]  }
0x2b: {  	s6 =	sld [smem:$0x3FB4]  }
0x2c: {  	s7 =	sld [smem:$0x3FB5]  }
0x2d: {  	s3 =	simm.s32 $0x108;
	s8 =	sld [smem:$0x3FB6]  }
0x2e: {  	s3 =	simm.s32 @!p0 $0x1082;
	s9 =	sld [smem:$0x3FB7]  }
0x2f: {  	lr =	sadd.s32 s0, s3;
	s0 =	sld [smem:$0x3FAE]  }
0x30: {  	s3 =	sld [smem:$0x3FB1]  }
0x31: {  	[smem:$0x3FBA] =	sst s10  }
0x32: {  	s10 =	sld [smem:$0x3FB8];
	_ =	sdelay $0x3  }
0x33: {  	p0 =	seq.s32 s10, $0x1;
	s10 =	sld [smem:$0x3FBA];
	_ =	sdelay $0x3  }
0x34: {  	[smem:$0x3FBA] =	sst s10  }
0x35: {  	s10 =	sld [smem:$0x3FB9];
	_ =	sdelay $0x3  }
0x36: {  	p1 =	seq.s32 s10, $0x1;
	s10 =	sld [smem:$0x3FBA];
	_ =	sdelay $0x3  }
0x37: {  	[smem:$0x3FBA] =	sst s10  }
0x38: {  	s10 =	sld [smem:$0x3FBB]  }
0x39: {  	_ = 	snop;
	(pc) =	sbr.ind lr, $3  }
0x3a: {  	_ = 	snop  }
0x3b: {  	_ = 	snop  }
0x3c: {  	p2 =	seq.s32 s10, $0x1;
	s10 =	sld [smem:$0x3FBA]  }
0x3d: {  	_ =	shalt  }
0x3e: {  	_ =	shalt  }
0x3f: {  	_ =	shalt  }
0x40: {  	_ =	shalt  }
0x41: {  	_ =	shalt  }
0x42: {  	_ =	shalt  }
0x43: {  	_ =	shalt  }
0x44: {  	_ =	shalt  }
0x45: {  	_ =	shalt  }
0x46: {  	_ =	shalt  }
0x47: {  	_ =	shalt  }
0x48: {  	_ =	shalt  }
0x49: {  	_ =	shalt  }
0x4a: {  	_ =	shalt  }
0x4b: {  	_ =	shalt  }
0x4c: {  	_ =	shalt  }
0x4d: {  	_ =	shalt  }
0x4e: {  	_ =	shalt  }
0x4f: {  	_ =	shalt  }
0x50: {  	_ =	shalt  }
0x51: {  	_ =	shalt  }
0x52: {  	_ =	shalt  }
0x53: {  	_ =	shalt  }
0x54: {  	_ =	shalt  }
0x55: {  	_ =	shalt  }
0x56: {  	_ =	shalt  }
0x57: {  	_ =	shalt  }
0x58: {  	_ =	shalt  }
0x59: {  	_ =	shalt  }
0x5a: {  	_ =	shalt  }
0x5b: {  	_ =	shalt  }
0x5c: {  	_ =	shalt  }
0x5d: {  	_ =	shalt  }
0x5e: {  	_ =	shalt  }
0x5f: {  	_ =	shalt  }
0x60: {  	_ =	shalt  }
0x61: {  	_ =	shalt  }
0x62: {  	_ =	shalt  }
0x63: {  	_ =	shalt  }
0x64: {  	_ =	shalt  }
0x65: {  	_ =	shalt  }
0x66: {  	_ =	shalt  }
0x67: {  	_ =	shalt  }
0x68: {  	_ =	shalt  }
0x69: {  	_ =	shalt  }
0x6a: {  	_ =	shalt  }
0x6b: {  	_ =	shalt  }
0x6c: {  	_ =	shalt  }
0x6d: {  	_ =	shalt  }
0x6e: {  	_ =	shalt  }
0x6f: {  	_ =	shalt  }
0x70: {  	_ =	shalt  }
0x71: {  	_ =	shalt  }
0x72: {  	_ =	shalt  }
0x73: {  	_ =	shalt  }
0x74: {  	_ =	shalt  }
0x75: {  	_ =	shalt  }
0x76: {  	_ =	shalt  }
0x77: {  	_ =	shalt  }
0x78: {  	_ =	shalt  }
0x79: {  	_ =	shalt  }
0x7a: {  	_ =	shalt  }
0x7b: {  	_ =	shalt  }
0x7c: {  	_ =	shalt  }
0x7d: {  	_ =	shalt  }
0x7e: {  	_ =	shalt  }
0x7f: {  	_ =	shalt  }
0x80: {  	_ =	shalt  }
0x81: {  	_ =	shalt  }
0x82: {  	_ =	shalt  }
0x83: {  	_ =	shalt  }
0x84: {  	_ =	shalt  }
0x85: {  	_ =	shalt  }
0x86: {  	_ =	shalt  }
0x87: {  	_ =	shalt  }
.Lfunc_end0:
.L_simem_size_0:
called_computation.1_lowered:
.L_overlay_start_0:
0x88: {  	s2 =	sld [smem:$0x3FD9]  }
0x89: {  	s3 =	sld [smem:$0x3FFE];
	_ =	sdelay $0x1  }
0x8a: {  	s1 =	srdreg.scid  }
0x8b: {  	s0 =	sand.u32 $0x1, s1  }
0x8c: {  	s17 =	sshll.u32 s0, $0xA;
	s2 =	sadd.s32 s3, s2  }
0x8d: {  	s2 =	sadd.s32 s2, s17  }
0x8e: {  	[smem:$0x3FC6] =	sst s2  }
0x8f: {  	_ = 	snop  }
0x90: {  	s2 =	sld [smem:$0x3FD0];
	(tm) =	ssettm $0x1  }
0x91: {  	s18 =	sld [smem:$0x3FFB];
	_ =	sdelay $0x3  }
0x92: {  	_ =	strace s18  }
0x93: {  	s3 =	sld [smem:$0x3FFC];
	_ =	sdelay $0x3  }
0x94: {  	_ =	strace s3  }
0x95: {  	s3 =	sld [smem:$0x3FFD];
	_ =	sdelay $0x3  }
0x96: {  	_ =	strace s3  }
0x97: {  	_ =	strace $0x8FFFFFFF  }
0x98: {  	s19 =	sld [smem:$0x3FDB];
	_ =	sdelay $0x1  }
0x99: {  	s4 =	simm.s32 $_scs_section_size  }
0x9a: {  	s5 =	simm.s32 $_size__tile_overlayer_lowered;
	s6 =	simm.s32 $_tile_overlayer_lowered  }
0x9b: {  	s22 =	simm.s32 $0x1BFF;
	s21 =	sshll.u32 s6, $0x1;
	s3 =	sadd.s32 s4, s19  }
0x9c: {  	s7 =	simm.s32 $0x0;
	s20 =	sshll.u32 s5, $0x1;
	s5 =	sadd.s32 s21, s3  }
0x9d: {  	[timem:s7], [sflag:s22] =	dma.local [hbm:s5], s20  }
0x9e: {  	_ =	swait.ge [sflag:s22], s20  }
0x9f: {  	s4 =	ssub.s32 $0x0, s20;
	[sflag:s22] =	ssyncset.done $0x0  }
0xa0: {  	[sflag:s22] =	ssyncadd.s32 s4;
	_ =	sdelay $0x1  }
0xa1: {  	s23 =	simm.s32 $0x1B8B  }
0xa2: {  	_ =	swait.ge [sflag:s23], $0x1  }
0xa3: {  	[sflag:s23] =	ssyncset.done $0x0  }
0xa4: {  	s25 =	simm.s32 $0x1B8E;
	s24 =	sld [smem:$0x3FFE];
	[sflag:s23] =	ssyncadd.s32 $0xFFFFFFFF  }
0xa5: {  	s26 =	simm.s32 $execute0_lowered;
	[smem:$0x3FD2] =	sst s25  }
0xa6: {  	s5 =	sshll.u32 s26, $0x1;
	_ =	strace $0x80000046;
	[dreg:$0x1] =	wrdreg $0xFFFFFFFF  }
0xa7: {  	s28 =	simm.s32 $_size_execute0_lowered;
	s3 =	sadd.s32 s3, s5;
	[dreg:$0x0] =	wrdreg $0x0  }
0xa8: {  	s5 =	sshll.u32 s28, $0x1;
	[dreg:$0x2] =	wrdreg s3  }
0xa9: {  	[dreg:$0x3] =	wrdreg s5  }
0xaa: {  	[dreg:$0x4] =	wrdreg $0xC0  }
0xab: {  	_ =	task [dreg:s7], $0x5FFFF  }
0xac: {  	[dreg:$0x1] =	wrdreg $0xFFFFFFFF  }
0xad: {  	[dreg:$0x0] =	wrdreg $0x60  }
0xae: {  	[dreg:$0x2] =	wrdreg s24  }
0xaf: {  	[dreg:$0x3] =	wrdreg s2  }
0xb0: {  	[dreg:$0x4] =	wrdreg $0x9  }
0xb1: {  	_ =	task.clear_ibuf [dreg:s7], $0x5FFFF;
	_ =	strace $0x90000046  }
0xb2: {  	s29 =	simm.s32 $0x9;
	_ =	strace $0x80000048  }
0xb3: {  	_ =	swait.ge [sflag:s29], $0x1  }
0xb4: {  	[sflag:s29] =	ssyncadd.s32 $0xFFFFFFFF  }
0xb5: {  	_ =	strace $0x90000048  }
0xb6: {  	_ =	sfence  }
0xb7: {  	s30 =	sld [smem:$0x0];
	_ =	sdelay $0x2  }
0xb8: {  	s31 =	sshll.u32 s1, $0xD;
	s1 =	sshrl.u32 s1, $0x2  }
0xb9: {  	s3 =	sand.u32 $0x4000, s31;
	s1 =	sadd.s32 s1, s30  }
0xba: {  	s0 =	sor.u32 s3, s0;
	s1 =	sshll.u32 s1, $0x11  }
0xbb: {  	s0 =	sor.u32 s1, s0  }
0xbc: {  	s0 =	sadd.s32 $0x8F2B, s0  }
0xbd: {  	[sflag:s0] =	ssyncadd.remote.s32 $0x1  }
0xbe: {  	_ =	sfence.sel $0xFFFF  }
0xbf: {  	[dreg:$0x0] =	wrdreg $0xFFFFFFFF;
	(pc) =	sbr.abs _section_cstart, $3  }
0xc0: {  	[dreg:$0x1] =	wrdreg $0xFFFFFFFF  }
0xc1: {  	_ =	task.clear_ibuf [dreg:s7], $0x2FFFF;
	_ =	strace $0x9FFFFFFF  }
0xc2: {  	(tm) =	ssettm $0x7FFFFFFF  }
0xc3: {  	_ =	shalt  }
tec
execute0_lowered:
.L_overlay_start_1:
0x0: {  	(tag) =	ssettag $0x1  }
0x1: {  	s3 =	rddreg [dreg:$0x0]  }
0x2: {  	s1 =	rddreg [dreg:$0x1]  }
0x3: {  	s0 =	rddreg [dreg:$0x2];
	s2 =	simm.s32 $0x0;
	s4 =	srdreg.scid  }
0x4: {  	s10 =	simm.s32 $0x3200;
	s11 =	simm.s32 $0x32C8;
	s12 =	simm.s32 $0x80  }
0x5: {  	s13 =	simm.s32 $0x3390;
	s14 =	simm.s32 $0x48;
	s15 =	simm.s32 $0x3280  }
0x6: {  	s16 =	simm.s32 $0x5390;
	s17 =	simm.s32 $0x6590;
	s18 =	simm.s32 $0x3348  }
0x7: {  	s19 =	simm.s32 $0x8590;
	s20 =	simm.s32 $0x1;
	s21 =	simm.s32 $0x0  }
0x8: {  	[smem:$0x7FF] =	sst s2;
	s7 =	sand.u32 $0x1, s4;
	s4 =	sadd.s32 $0xC00, s3  }
0x9: {  	s5 =	sadd.s32 $0xF43000, s3;
	s6 =	sadd.s32 $0x19C00, s3;
	s8 =	ssub.s32 $0x2, s7  }
0xa: {  	s3 =	stileid.u32;
	_ =	strace $0x80000047;
	s9 =	sshrl.u32 s8, $0x1  }
0xb: {  	s31 =	sshll.u32 s3, $0x8;
	s7 =	sshll.u32 s7, $0x7;
	s8 =	ssub.s32 s8, s9  }
0xc: {  	s7 =	sor.u32 s7, s31;
	s9 =	simm.s32 $0x2;
	s8 =	smax.u32 s8, $0x1  }
.LBB2_1:
0xd: {  	[tilespmem:s2], [sflag:$0x2] =	stream.linear.gather [hbm4b:s6+s2], $0x3200, $0x38;
	[tilespmem:$0x9790] =	vst v63  }
0xe: {  	_ =	swait.ge [sflag:s9], $0x3200  }
0xf: {  	[sflag:s9] =	ssyncset.done $0x0  }
0x10: {  	s22 =	simm.s32 $0x0;
	[sflag:s9] =	ssyncadd.s32 $0xFFFFCE00  }
.LBB2_2:
0x11: {  	s23 =	sshll.u32 s22, $0x1  }
0x12: {  	s23 =	sadd.s32 s7, s23  }
0x13: {  	s24 =	smul.u32 $0x19, s23;
	_ =	sdelay $0x1  }
0x14: {  	s25 =	simm.s32 $0x0;
	s26 =	smul.u32 $0xC8, s23;
	s24 =	sadd.s32 s4, s24  }
0x15: {  	[tilespmem:s10], [sflag:$0x2] =	stream.linear.gather [hbm4b:s24+s25], $0xC8, $0x38;
	[tilespmem:$0x9790] =	vst v63  }
0x16: {  	s31 =	sadd.s32 $0xC8, s26;
	_ =	swait.ge [sflag:s9], $0xC8  }
0x17: {  	s24 =	sshrl.u32 s31, $0x3;
	[sflag:s9] =	ssyncset.done $0x0  }
0x18: {  	s24 =	sadd.s32 s4, s24;
	[sflag:s9] =	ssyncadd.s32 $0xFFFFFF38  }
0x19: {  	[tilespmem:s11], [sflag:$0x2] =	stream.linear.gather [hbm4b:s24+s25], $0xC8, $0x38;
	[tilespmem:$0x9790] =	vst v63  }
0x1a: {  	_ =	swait.ge [sflag:s9], $0xC8  }
0x1b: {  	[sflag:s9] =	ssyncset.done $0x0  }
0x1c: {  	[sflag:s9] =	ssyncadd.s32 $0xFFFFFF38  }
0x1d: {  	[tilespmem:s13], [sflag:$0x1] =	stream.indirect.gather [hbm4b:s5+s12], $0x40, s10, s12, $0xb8;
	[tilespmem:$0x9790] =	vst v63  }
0x1e: {  	_ = 	snop  }
0x1f: {  	[tilespmem:s16], [sflag:$0x1] =	stream.indirect.gather [hbm4b:s5+s14], $0x40, s15, s14, $0xb8;
	[tilespmem:$0x9790] =	vst v63  }
0x20: {  	_ = 	snop  }
0x21: {  	[tilespmem:s17], [sflag:$0x1] =	stream.indirect.gather [hbm4b:s5+s12], $0x40, s11, s12, $0xb8;
	[tilespmem:$0x9790] =	vst v63  }
0x22: {  	_ = 	snop  }
0x23: {  	[tilespmem:s19], [sflag:$0x1] =	stream.indirect.gather [hbm4b:s5+s14], $0x40, s18, s14, $0xb8;
	[tilespmem:$0x9790] =	vst v63  }
0x24: {  	_ =	swait.ge [sflag:s20], $0x2000  }
0x25: {  	[sflag:s20] =	ssyncset.done $0x0  }
0x26: {  	[sflag:s20] =	ssyncadd.s32 $0xFFFFE000  }
0x27: {  	_ =	swait.ge [sflag:s20], $0x1200  }
0x28: {  	[sflag:s20] =	ssyncset.done $0x0  }
0x29: {  	[sflag:s20] =	ssyncadd.s32 $0xFFFFEE00  }
0x2a: {  	_ =	swait.ge [sflag:s20], $0x2000  }
0x2b: {  	[sflag:s20] =	ssyncset.done $0x0  }
0x2c: {  	[sflag:s20] =	ssyncadd.s32 $0xFFFFE000  }
0x2d: {  	_ =	swait.ge [sflag:s20], $0x1200  }
0x2e: {  	[sflag:s20] =	ssyncset.done $0x0  }
0x2f: {  	s24 =	simm.s32 $0x0;
	[sflag:s20] =	ssyncadd.s32 $0xFFFFEE00  }
0x30: {  	v1 =	vld [tilespmem:s24+$0x0]  }
0x31: {  	v0 =	vld [tilespmem:s24+$0x10]  }
0x32: {  	v2 =	vld [tilespmem:s24+$0x20]  }
0x33: {  	v3 =	vld [tilespmem:s24+$0x3390]  }
0x34: {  	v8 =	vld [tilespmem:s24+$0x6590]  }
0x35: {  	v7 =	vld [tilespmem:s24+$0x33A0]  }
0x36: {  	v6 =	vld [tilespmem:s24+$0x65A0]  }
0x37: {  	v5 =	vld [tilespmem:s24+$0x33B0]  }
0x38: {  	v4 =	vld [tilespmem:s24+$0x65B0];
	v9 =	vmul.f32 $8.000000000e+00, v3  }
0x39: {  	s25 =	simm.s32 $0x100;
	v8 =	vmul.f32 $8.000000000e+00, v8;
	v3 =	vld [tilespmem:s24+$0x33C0]  }
.LBB2_3:
0x3a: {  	p0 =	sne.s32 s25, $0xC700;
	v9 =	vadd.f32 v9, v1;
	v7 =	vmul.f32 $8.000000000e+00, v7;
	v10 =	vld [tilespmem:s24+$0x65C0]  }
0x3b: {  	s26 =	sshra.s32 s25, $0x2;
	v8 =	vadd.f32 v8, v1;
	v6 =	vmul.f32 $8.000000000e+00, v6;
	v11 =	vld [tilespmem:s24+$0x30]  }
0x3c: {  	v1 =	vld [tilespmem:s26+$0x0];
	[tilespmem:s24+$0x3390] =	vst v9;
	v7 =	vadd.f32 v7, v0;
	v5 =	vmul.f32 $8.000000000e+00, v5  }
0x3d: {  	[tilespmem:s24+$0x6590] =	vst v8;
	v6 =	vadd.f32 v6, v0;
	v0 =	vld [tilespmem:s26+$0x10];
	v4 =	vmul.f32 $8.000000000e+00, v4  }
0x3e: {  	v8 =	vld [tilespmem:s26+$0x20];
	[tilespmem:s24+$0x33A0] =	vst v7;
	v5 =	vadd.f32 v5, v2;
	v3 =	vmul.f32 $8.000000000e+00, v3  }
0x3f: {  	v9 =	vld [tilespmem:s26+$0x3390];
	[tilespmem:s24+$0x65A0] =	vst v6;
	v2 =	vadd.f32 v4, v2;
	v4 =	vmul.f32 $8.000000000e+00, v10  }
0x40: {  	v10 =	vld [tilespmem:s26+$0x6590];
	[tilespmem:s24+$0x33B0] =	vst v5;
	v3 =	vadd.f32 v3, v11  }
.Ltmp0:
0x41: {  	v7 =	vld [tilespmem:s26+$0x33A0];
	[tilespmem:s24+$0x65B0] =	vst v2;
	v4 =	vadd.f32 v4, v11;
	(pc) =	sbr.rel @p0 .LBB2_3-.Ltmp0, $4  }
0x42: {  	v6 =	vld [tilespmem:s26+$0x65A0];
	[tilespmem:s24+$0x33C0] =	vst v3  }
0x43: {  	v5 =	vld [tilespmem:s26+$0x33B0];
	[tilespmem:s24+$0x65C0] =	vst v4;
	v2 =	vmov v8;
	s24 =	smov.u32 s26  }
0x44: {  	v9 =	vmul.f32 $8.000000000e+00, v9;
	v4 =	vld [tilespmem:s24+$0x65B0]  }
0x45: {  	s25 =	sadd.s32 $0x100, s25;
	v8 =	vmul.f32 $8.000000000e+00, v10;
	v3 =	vld [tilespmem:s24+$0x33C0]  }
0x46: {  	v9 =	vadd.f32 v9, v1;
	v7 =	vmul.f32 $8.000000000e+00, v7;
	v10 =	vld [tilespmem:s24+$0x65C0]  }
0x47: {  	v56 =	vld [tilespmem:s24+$0x30];
	v55 =	vadd.f32 v8, v1;
	v6 =	vmul.f32 $8.000000000e+00, v6  }
0x48: {  	[tilespmem:s24+$0x3390] =	vst v9;
	v7 =	vadd.f32 v7, v0;
	v5 =	vmul.f32 $8.000000000e+00, v5  }
0x49: {  	[tilespmem:s24+$0x6590] =	vst v55;
	v57 =	vadd.f32 v6, v0;
	v58 =	vmul.f32 $8.000000000e+00, v4  }
0x4a: {  	[tilespmem:s24+$0x33A0] =	vst v7;
	v59 =	vadd.f32 v5, v2;
	v3 =	vmul.f32 $8.000000000e+00, v3  }
0x4b: {  	[tilespmem:s24+$0x65A0] =	vst v57;
	v60 =	vadd.f32 v58, v2;
	v61 =	vmul.f32 $8.000000000e+00, v10  }
0x4c: {  	[tilespmem:s24+$0x33B0] =	vst v59;
	v62 =	vadd.f32 v3, v56  }
0x4d: {  	s23 =	smul.u32 $0x640, s23;
	s22 =	sadd.s32 $0x1, s22;
	[tilespmem:s24+$0x65B0] =	vst v60;
	v63 =	vadd.f32 v61, v56  }
0x4e: {  	p0 =	sne.s32 s22, $0x40;
	[tilespmem:s24+$0x33C0] =	vst v62  }
.Ltmp1:
0x4f: {  	s23 =	sadd.s32 s1, s23;
	[tilespmem:s24+$0x65C0] =	vst v63;
	(pc) =	sbr.rel @p0 .LBB2_2-.Ltmp1, $4  }
0x50: {  	[hbm4b:s23+s2] =	stream.linear.scatter [tilespmem:s13], [sflag:$0x2], $0x6400, $0x38;
	[tilespmem:$0x9790] =	vst v63  }
0x51: {  	_ =	swait.ge [sflag:s9], $0x6400  }
0x52: {  	[sflag:s9] =	ssyncset.done $0x0  }
0x53: {  	[sflag:s9] =	ssyncadd.s32 $0xFFFF9C00  }
0x54: {  	s21 =	sadd.s32 $0x1, s21  }
0x55: {  	p0 =	sne.s32 s21, s8  }
.Ltmp2:
0x56: {  	_ = 	snop;
	(pc) =	sbr.rel @p0 .LBB2_1-.Ltmp2, $1  }
0x57: {  	_ =	sdelay $0x3  }
0x58: {  	_ =	sfence.sel $0x180000  }
0x59: {  	[bflag:$0x0] =	sbarrier.arrive $0xFFFF  }
0x5a: {  	p0 =	sne.s32 s3, $0x0;
	_ =	strace $0x90000047  }
0x5b: {  	s0 =	sadd.s32 @!p0 $0x100000, s0;
	[bflag:$0x2] =	sbarrier.arrive $0xFFFF  }
0x5c: {  	[sflag:s0] =	ssyncadd.tile.s32 @!p0 $0x1;
	_ =	shalt  }
.Lfunc_end2:
_tile_overlayer_lowered:
.L_overlay_start_2:
0x5d: {  	(tag) =	ssettag $0x2  }
0x5e: {  	s0 =	rddreg [dreg:$0x0];
	s2 =	stileid.u32  }
0x5f: {  	s1 =	rddreg [dreg:$0x1];
	p0 =	sne.s32 s2, $0x0  }
0x60: {  	s3 =	rddreg [dreg:$0x2];
	[bflag:$0x3] =	sbarrier.arrive $0xFFFF;
	s2 =	simm.s32 @!p0 $0x1C02  }
0x61: {  	[timem:s3], [sflag:s2] =	dma.local @!p0 [hbm:s0], s1  }
0x62: {  	s0 =	simm.s32 @!p0 $0x2  }
0x63: {  	_ =	swait.ge @!p0 [sflag:s0], s1  }
0x64: {  	s1 =	ssub.s32 @!p0 $0x0, s1;
	[sflag:s0] =	ssyncset.done @!p0 $0x0  }
0x65: {  	[sflag:s0] =	ssyncadd.s32 @!p0 s1  }
0x66: {  	[bflag:$0x3] =	sbarrier.arrive $0xFFFF  }
0x67: {  	_ =	shalt  }

// kernel: sparse-core-data-format-call.cloned.1.call-start
scs
called_computation_lowered:
.L_overlay_start_0:
0x0: {  	s2 =	sld [smem:$0x3FD9]  }
0x1: {  	s3 =	sld [smem:$0x3FFE];
	_ =	sdelay $0x1  }
0x2: {  	s1 =	srdreg.scid  }
0x3: {  	s0 =	sand.u32 $0x1, s1  }
0x4: {  	s18 =	sshll.u32 s0, $0xA;
	s2 =	sadd.s32 s3, s2  }
0x5: {  	s2 =	sadd.s32 s2, s18  }
0x6: {  	[smem:$0x3FC6] =	sst s2  }
0x7: {  	_ = 	snop  }
0x8: {  	s2 =	sld [smem:$0x3FD0];
	(tm) =	ssettm $0x1  }
0x9: {  	s19 =	sld [smem:$0x3FFB];
	_ =	sdelay $0x3  }
0xa: {  	_ =	strace s19  }
0xb: {  	s3 =	sld [smem:$0x3FFC];
	_ =	sdelay $0x3  }
0xc: {  	_ =	strace s3  }
0xd: {  	s3 =	sld [smem:$0x3FFD];
	_ =	sdelay $0x3  }
0xe: {  	_ =	strace s3  }
0xf: {  	_ =	strace $0x8FFFFFFF  }
0x10: {  	s20 =	sld [smem:$0x3FDB];
	_ =	sdelay $0x1  }
0x11: {  	s4 =	simm.s32 $_scs_section_size  }
0x12: {  	s5 =	simm.s32 $_size__tile_overlayer_lowered;
	s6 =	simm.s32 $_tile_overlayer_lowered  }
0x13: {  	s23 =	simm.s32 $0x1BFF;
	s22 =	sshll.u32 s6, $0x1;
	s3 =	sadd.s32 s4, s20  }
0x14: {  	s7 =	simm.s32 $0x0;
	s21 =	sshll.u32 s5, $0x1;
	s5 =	sadd.s32 s22, s3  }
0x15: {  	[timem:s7], [sflag:s23] =	dma.local [hbm:s5], s21  }
0x16: {  	_ =	swait.ge [sflag:s23], s21  }
0x17: {  	s4 =	ssub.s32 $0x0, s21;
	[sflag:s23] =	ssyncset.done $0x0  }
0x18: {  	[sflag:s23] =	ssyncadd.s32 s4;
	_ =	sdelay $0x1  }
0x19: {  	s24 =	simm.s32 $0x1B8B  }
0x1a: {  	_ =	swait.ge [sflag:s24], $0x1  }
0x1b: {  	[sflag:s24] =	ssyncset.done $0x0  }
0x1c: {  	s26 =	simm.s32 $0x1B8E;
	s25 =	sld [smem:$0x3FFE];
	[sflag:s24] =	ssyncadd.s32 $0xFFFFFFFF  }
0x1d: {  	s27 =	simm.s32 $execute0_lowered;
	[smem:$0x3FD2] =	sst s26  }
0x1e: {  	s5 =	sshll.u32 s27, $0x1;
	_ =	strace $0x80000049;
	[dreg:$0x1] =	wrdreg $0xFFFFFFFF  }
0x1f: {  	s28 =	simm.s32 $_size_execute0_lowered;
	s3 =	sadd.s32 s3, s5;
	[dreg:$0x0] =	wrdreg $0x0  }
0x20: {  	s5 =	sshll.u32 s28, $0x1;
	[dreg:$0x2] =	wrdreg s3  }
0x21: {  	[dreg:$0x3] =	wrdreg s5  }
0x22: {  	[dreg:$0x4] =	wrdreg $0xC0  }
0x23: {  	_ =	task [dreg:s7], $0x5FFFF  }
0x24: {  	[dreg:$0x1] =	wrdreg $0xFFFFFFFF  }
0x25: {  	[dreg:$0x0] =	wrdreg $0x60  }
0x26: {  	[dreg:$0x2] =	wrdreg s25  }
0x27: {  	[dreg:$0x3] =	wrdreg s2  }
0x28: {  	[dreg:$0x4] =	wrdreg $0x9  }
0x29: {  	_ =	task.clear_ibuf [dreg:s7], $0x5FFFF;
	_ =	strace $0x90000049  }
0x2a: {  	s29 =	simm.s32 $0x9;
	_ =	strace $0x8000004B  }
0x2b: {  	_ =	swait.ge [sflag:s29], $0x1  }
0x2c: {  	[sflag:s29] =	ssyncadd.s32 $0xFFFFFFFF  }
0x2d: {  	_ =	strace $0x9000004B  }
0x2e: {  	_ =	sfence  }
0x2f: {  	s30 =	sld [smem:$0x0];
	_ =	sdelay $0x2  }
0x30: {  	s31 =	sshll.u32 s1, $0xD;
	s1 =	sshrl.u32 s1, $0x2  }
0x31: {  	s3 =	sand.u32 $0x4000, s31;
	s1 =	sadd.s32 s1, s30  }
0x32: {  	s0 =	sor.u32 s3, s0;
	s1 =	sshll.u32 s1, $0x11  }
0x33: {  	s0 =	sor.u32 s1, s0  }
0x34: {  	s0 =	sadd.s32 $0x8F2B, s0  }
0x35: {  	[sflag:s0] =	ssyncadd.remote.s32 $0x1  }
0x36: {  	_ =	sfence.sel $0xFFFF  }
0x37: {  	[dreg:$0x0] =	wrdreg $0xFFFFFFFF;
	(pc) =	sbr.abs _section_cstart, $3  }
0x38: {  	[dreg:$0x1] =	wrdreg $0xFFFFFFFF  }
0x39: {  	_ =	task.clear_ibuf [dreg:s7], $0x2FFFF;
	_ =	strace $0x9FFFFFFF  }
0x3a: {  	(tm) =	ssettm $0x7FFFFFFF  }
0x3b: {  	_ =	shalt  }
tec
execute0_lowered:
.L_overlay_start_1:
0x0: {  	(tag) =	ssettag $0x1  }
0x1: {  	s0 =	srdreg.scid  }
0x2: {  	s1 =	sshll.u32 s0, $0x4  }
0x3: {  	s0 =	stileid.u32;
	s1 =	sand.u32 $0x10, s1  }
0x4: {  	s1 =	sor.u32 s0, s1  }
0x5: {  	s6 =	rddreg [dreg:$0x0];
	s4 =	simm.s32 $0x1;
	s2 =	sshll.u32 s1, $0x7  }
0x6: {  	s7 =	simm.s32 $0x2;
	s12 =	simm.s32 $0x0;
	s1 =	ssub.s32 $0x1000, s2  }
0x7: {  	s8 =	simm.s32 $0x8000;
	s13 =	simm.s32 $0x0;
	s3 =	sand.u32 $0xF80, s1  }
0x8: {  	s9 =	simm.s32 $0x0;
	s5 =	sshrl.u32 s1, $0xC;
	p0 =	sne.s32 s3, $0x0  }
.Ltmp0:
0x9: {  	s1 =	rddreg [dreg:$0x2];
	s4 =	simm.s32 @!p0 $0x0;
	(pc) =	sbr.rel .LBB1_1-.Ltmp0, $4  }
0xa: {  	s11 =	simm.s32 $0x0;
	s3 =	rddreg [dreg:$0x1];
	s5 =	sadd.s32 s4, s5  }
0xb: {  	_ =	strace $0x8000004A;
	s4 =	simm.s32 $0x1;
	s5 =	smul.u32 $0xC8, s5  }
0xc: {  	s6 =	sadd.s32 $0xC00, s6;
	s10 =	smov.u32 s2;
	[sflag:s4] =	ssyncpa.u1 $0x0  }
0xd: {  	p0 =	por $0x0, $0x0;
	[sflag:s7] =	ssyncpa.u1 $0x0;
	s7 =	sor.u32 $0x1, s5  }
.LBB1_4:
0xe: {  	s16 =	sshll.u32 s13, $0x3;
	s17 =	sand.u32 $0x78, s13  }
0xf: {  	s30 =	sand.u32 $0x7E00, s13;
	s12 =	sshll.u32 s12, $0xF;
	s16 =	sand.u32 $0xC00, s16  }
0x10: {  	[tilespmem:s15+$0x810 ss:$0x81] =	vst.msk $0xffff, v2;
	s31 =	sand.u32 $0x7, s13;
	s16 =	sor.u32 s17, s16;
	s17 =	sadd.s32 s3, s30  }
0x11: {  	[tilespmem:s15+$0x1020 ss:$0x81] =	vst.msk $0xffff, v0;
	s13 =	sshll.u32 s31, $0x12;
	s12 =	sadd.s32 s12, s17;
	s16 =	sshrl.u32 s16, $0x3  }
0x12: {  	[tilespmem:s15+$0x0 ss:$0x81] =	vst.msk $0xffff, v1;
	s13 =	sor.u32 $0x400, s13;
	s12 =	sadd.s32 s16, s12  }
0x13: {  	[hbm4b:s12+s13] =	stream.strided.scatter [tilespmem:s14], [sflag:$0x2], $0x2000, s8, s13, $0x20;
	[tilespmem:$0x8080] =	vst v63  }
.LBB1_5:
0x14: {  	s14 =	sadd.s32 $0x1, s9  }
0x15: {  	s12 =	sadd.s32 $0x1000, s10;
	s16 =	smov.u32 s10;
	p2 =	sgt.s32 s14, $0xC7  }
0x16: {  	s16 =	smov.u32 @p2 s12  }
0x17: {  	s14 =	simm.s32 @p2 $0x0;
	p2 =	sgt.s32 s16, $0xFFF  }
0x18: {  	s16 =	smov.u32 @p2 s2;
	p2 =	sne.s32 s11, s7  }
.Ltmp1:
0x19: {  	p1 =	slt.u32 s11, $0x2;
	(pc) =	sbr.rel @!p2 .LBB1_6-.Ltmp1, $4  }
0x1a: {  	s15 =	simm.s32 @!p1 $0x2  }
0x1b: {  	s13 =	smov.u32 s10;
	p0 =	por !p0, !p0;
	_ =	swait.ge @!p1 [sflag:s15], $0x2000  }
0x1c: {  	s12 =	smov.u32 s9;
	[sflag:s15] =	ssyncset.done @!p1 $0x0;
	s9 =	smov.u32 s14  }
0x1d: {  	s11 =	sadd.s32 $0x1, s11;
	[sflag:s15] =	ssyncadd.s32 @!p1 $0xFFFFE000;
	s10 =	smov.u32 s16  }
.LBB1_1:
0x1e: {  	p1 =	sge.u32 s11, s5  }
0x1f: {  	s14 =	sand.u32 @!p1 $0x1FFFFFF, s9  }
0x20: {  	s15 =	smulhi.u32 @!p1 $0x147AE15, s14;
	_ =	sdelay $0x1  }
0x21: {  	s15 =	smul.u32 @!p1 $0xC8, s15  }
0x22: {  	s16 =	sxor.u32 @!p1 $0xFFFFFFFF, s11;
	s17 =	smul.u32 @!p1 $0xC80, s10  }
0x23: {  	s31 =	sadd.s32 $0xFFFFFFFF, s11;
	s16 =	sshll.u32 @!p1 s16, $0xD;
	s14 =	ssub.s32 @!p1 s14, s15  }
0x24: {  	s15 =	sand.u32 @!p1 $0x2000, s16;
	s16 =	sadd.s32 @!p1 s6, s17;
	s14 =	sshll.u32 @!p1 s14, $0x4  }
0x25: {  	s17 =	simm.s32 @!p1 $0x6400;
	s14 =	sadd.s32 @!p1 s14, s16;
	s16 =	simm.s32 @!p1 $0x40  }
0x26: {  	[tilespmem:s15], [sflag:$0x1] =	stream.strided.gather @!p1 [hbm4b:s14+s16], $0x2000, s17, s16, $0x38;
	[tilespmem:$0x8080] =	vst v63  }
0x27: {  	p1 =	sge.u32 s31, s5  }
.Ltmp2:
0x28: {  	_ = 	snop;
	(pc) =	sbr.rel @p1 .LBB1_5-.Ltmp2, $1  }
0x29: {  	_ =	sdelay $0x3  }
0x2a: {  	s14 =	simm.s32 $0x1  }
0x2b: {  	_ =	swait.ge [sflag:s4], $0x2000;
	s14 =	simm.s32 @!p0 $0x0  }
0x2c: {  	[sflag:s4] =	ssyncset.done $0x0;
	s15 =	sshll.u32 s14, $0xD  }
0x2d: {  	[sflag:s4] =	ssyncadd.s32 $0xFFFFE000;
	s18 =	sor.u32 $0x20, s15  }
0x2e: {  	s14 =	smul.u32 $0x8100, s14;
	v3 =	vld [tilespmem:s18+$0x10]  }
0x2f: {  	s30 =	sand.u32 $0x1, s11;
	v2 =	vld [tilespmem:s18+$0xFFFFFFF0]  }
0x30: {  	s15 =	smul.u32 $0x8100, s30;
	s14 =	sshrl.u32 s14, $0x2;
	v0 =	vld [tilespmem:s18+$0x0]  }
0x31: {  	v1 =	vld [tilespmem:s18+$0xFFFFFFE0];
	s16 =	sor.u32 $0x4000, s14  }
0x32: {  	s31 =	sshrl.u32 s15, $0x2;
	s15 =	sadd.s32 $0x0, s16  }
0x33: {  	s17 =	simm.s32 $0x4;
	s18 =	sadd.s32 $0x40, s18;
	s14 =	sor.u32 $0x4000, s31;
	[tilespmem:s15+$0x1830 ss:$0x81] =	vst.msk $0xffff, v3  }
.LBB1_3:
0x34: {  	v3 =	vld [tilespmem:s18+$0x10];
	p1 =	sne.s32 s17, $0x1FC;
	[tilespmem:s15+$0x810 ss:$0x81] =	vst.msk $0xffff, v2;
	s19 =	smov.u32 s17;
	s17 =	sadd.s32 $0x4, s17  }
.Ltmp3:
0x35: {  	v2 =	vld [tilespmem:s18+$0xFFFFFFF0];
	[tilespmem:s15+$0x1020 ss:$0x81] =	vst.msk $0xffff, v0;
	(pc) =	sbr.rel @p1 .LBB1_3-.Ltmp3, $4  }
0x36: {  	v0 =	vld [tilespmem:s18+$0x0];
	[tilespmem:s15+$0x0 ss:$0x81] =	vst.msk $0xffff, v1  }
0x37: {  	s15 =	sshra.s32 s19, $0x2;
	v1 =	vld [tilespmem:s18+$0xFFFFFFE0]  }
0x38: {  	s15 =	sadd.s32 s15, s16  }
0x39: {  	s18 =	sadd.s32 $0x40, s18;
	[tilespmem:s15+$0x1830 ss:$0x81] =	vst.msk $0xffff, v3  }
.Ltmp4:
0x3a: {  	_ = 	snop;
	(pc) =	sbr.rel .LBB1_4-.Ltmp4, $1  }
0x3b: {  	_ =	sdelay $0x3  }
.LBB1_6:
0x3c: {  	_ =	sfence.sel $0x180000  }
0x3d: {  	s2 =	simm.s32 $0x1;
	[bflag:$0x0] =	sbarrier.arrive $0xFFFF  }
0x3e: {  	s31 =	simm.s32 $0x2;
	[sflag:s2] =	ssyncpa.u1 $0x1  }
0x3f: {  	[sflag:s31] =	ssyncpa.u1 $0x1  }
0x40: {  	p0 =	sne.s32 s0, $0x0;
	_ =	strace $0x9000004A  }
0x41: {  	s0 =	sadd.s32 @!p0 $0x100000, s1;
	[bflag:$0x2] =	sbarrier.arrive $0xFFFF  }
0x42: {  	[sflag:s0] =	ssyncadd.tile.s32 @!p0 $0x1;
	_ =	shalt  }
.Lfunc_end1:
_tile_overlayer_lowered:
.L_overlay_start_2:
0x43: {  	(tag) =	ssettag $0x2  }
0x44: {  	s0 =	rddreg [dreg:$0x0];
	s2 =	stileid.u32  }
0x45: {  	s1 =	rddreg [dreg:$0x1];
	p0 =	sne.s32 s2, $0x0  }
0x46: {  	s3 =	rddreg [dreg:$0x2];
	[bflag:$0x3] =	sbarrier.arrive $0xFFFF;
	s2 =	simm.s32 @!p0 $0x1C01  }
0x47: {  	[timem:s3], [sflag:s2] =	dma.local @!p0 [hbm:s0], s1  }
0x48: {  	s0 =	simm.s32 @!p0 $0x1  }
0x49: {  	_ =	swait.ge @!p0 [sflag:s0], s1  }
0x4a: {  	s1 =	ssub.s32 @!p0 $0x0, s1;
	[sflag:s0] =	ssyncset.done @!p0 $0x0  }
0x4b: {  	[sflag:s0] =	ssyncadd.s32 @!p0 s1  }
0x4c: {  	[bflag:$0x3] =	sbarrier.arrive $0xFFFF  }
0x4d: {  	_ =	shalt  }

</sc_bundles>
